<compile_context>
chip_gen: v7x
topology: tpu7x:2x2x1
jax: 0.10.2.dev20260603
libtpu: 0.0.44.dev20260713+nightly
codegen_flags: <defaults>
</compile_context>

<pallas_src>
import jax
import jax.numpy as jnp
from jax.experimental import pallas as pl

_B = 1024
_C = 100000
_R = 214
_NS = 13
_NSC = 30
_NST = 6
_K = 256
_H = 256
_BB = 8


def _rerank_block(top_logits_ref, radical_logits_ref, structure_ref,
                  stroke_count_ref, stroke_types_ref, cand_mask_ref,
                  cand_sig_ref, cand_structure_ref, cand_stroke_ref,
                  w1_ref, b1_ref, w2_ref, b2_ref, rw_ref, out_ref):
    rl = radical_logits_ref[...]
    radical_preds = (rl > 0.0).astype(jnp.float32)
    mask = cand_mask_ref[...].astype(jnp.float32)
    rp = radical_preds[:, None, :]
    detected = jnp.sum(rp * mask, axis=-1)
    counts = jnp.maximum(jnp.sum(mask, axis=-1), 1.0)
    match_ratio = detected / counts
    num_detected = jnp.sum(radical_preds, axis=-1, keepdims=True)
    false_alarms = jnp.sum(rp * (1.0 - mask), axis=-1)
    false_ratio = false_alarms / jnp.maximum(num_detected, 1.0)

    probs = jax.nn.softmax(structure_ref[...], axis=-1)
    cs = cand_structure_ref[...]
    ns_iota = jax.lax.broadcasted_iota(jnp.int32, (1, 1, _NS), 2)
    eq = (cs[:, :, None] == ns_iota).astype(jnp.float32)
    structure_match = jnp.sum(eq * probs[:, None, :], axis=-1)

    sc = stroke_count_ref[...]
    mx = jnp.max(sc, axis=-1, keepdims=True)
    idx_iota = jax.lax.broadcasted_iota(jnp.int32, sc.shape, 1)
    stroke_pred = jnp.min(jnp.where(sc == mx, idx_iota, _NSC), axis=-1)
    cstk = cand_stroke_ref[...]
    stroke_distance = jnp.abs(stroke_pred[:, None] - cstk).astype(jnp.float32) / 29.0

    st = stroke_types_ref[...]
    pn = st / jnp.maximum(jnp.sqrt(jnp.sum(st * st, -1, keepdims=True)), 1e-12)
    sig = cand_sig_ref[...]
    sgn = sig / jnp.maximum(jnp.sqrt(jnp.sum(sig * sig, -1, keepdims=True)), 1e-12)
    cos = jnp.sum(pn[:, None, :] * sgn, axis=-1)

    feats = (match_ratio, false_ratio, structure_match, stroke_distance, cos)
    acc = jnp.broadcast_to(b1_ref[...].reshape(1, 1, _H), (_BB, _K, _H))
    for f in range(5):
        wrow = w1_ref[f:f + 1, :].reshape(1, 1, _H)
        acc = acc + feats[f][:, :, None] * wrow
    h = jnp.maximum(acc, 0.0)
    score = jnp.sum(h * w2_ref[...].reshape(1, 1, _H), axis=-1) + b2_ref[0, 0]

    out_ref[...] = top_logits_ref[...] + rw_ref[0, 0] * score


def kernel(char_logits, radical_logits, structure, stroke_count, stroke_types,
           stroke_type_sig, W1, b1, W2, b2, reranker_weight,
           radical_mask, structure_label, stroke_count_label):
    top_logits, top_indices = jax.lax.top_k(char_logits, _K)
    cand_mask = jnp.take(radical_mask, top_indices, axis=0)
    cand_structure = jnp.take(structure_label, top_indices, axis=0).astype(jnp.int32)
    cand_stroke = jnp.take(stroke_count_label, top_indices, axis=0).astype(jnp.int32)
    cand_sig = jnp.take(stroke_type_sig, top_indices, axis=0)

    grid = (_B // _BB,)
    combined_top = pl.pallas_call(
        _rerank_block,
        grid=grid,
        in_specs=[
            pl.BlockSpec((_BB, _K), lambda i: (i, 0)),
            pl.BlockSpec((_BB, _R), lambda i: (i, 0)),
            pl.BlockSpec((_BB, _NS), lambda i: (i, 0)),
            pl.BlockSpec((_BB, _NSC), lambda i: (i, 0)),
            pl.BlockSpec((_BB, _NST), lambda i: (i, 0)),
            pl.BlockSpec((_BB, _K, _R), lambda i: (i, 0, 0)),
            pl.BlockSpec((_BB, _K, _NST), lambda i: (i, 0, 0)),
            pl.BlockSpec((_BB, _K), lambda i: (i, 0)),
            pl.BlockSpec((_BB, _K), lambda i: (i, 0)),
            pl.BlockSpec((5, _H), lambda i: (0, 0)),
            pl.BlockSpec((1, _H), lambda i: (0, 0)),
            pl.BlockSpec((1, _H), lambda i: (0, 0)),
            pl.BlockSpec((1, 1), lambda i: (0, 0)),
            pl.BlockSpec((1, 1), lambda i: (0, 0)),
        ],
        out_specs=pl.BlockSpec((_BB, _K), lambda i: (i, 0)),
        out_shape=jax.ShapeDtypeStruct((_B, _K), jnp.float32),
    )(top_logits, radical_logits, structure, stroke_count, stroke_types,
      cand_mask, cand_sig, cand_structure, cand_stroke,
      W1, b1.reshape(1, _H), W2.reshape(1, _H), b2.reshape(1, 1),
      jnp.reshape(reranker_weight, (1, 1)).astype(jnp.float32))

    combined_logits = char_logits.at[jnp.arange(_B)[:, None], top_indices].set(combined_top)
    return combined_logits

# --- scband reference (transcript-rebuilt; emitter-appended) ---
"""Pipeline reference for scband-symbolic-reranker-7181185319221 (READ-ONLY COPY).

The authoritative reference and input builder live on the scoring server;
editing this copy changes nothing except your own understanding.
"""

import jax, jax.numpy as jnp
import numpy as np

B = 1024
C = 100000
R = 214
NS = 13
NSC = 30
NST = 6
K = 256
H = 256


def _normalize(x, eps=1e-12):
    n = jnp.linalg.norm(x, axis=-1, keepdims=True)
    return x / jnp.clip(n, eps)


def setup_inputs(seed: int = 0):
    key = jax.random.key(seed)
    ks = jax.random.split(key, 14)
    char_logits = jax.random.normal(ks[0], (B, C), dtype=jnp.float32)
    radical_logits = jax.random.normal(ks[1], (B, R), dtype=jnp.float32)
    structure = jax.random.normal(ks[2], (B, NS), dtype=jnp.float32)
    stroke_count = jax.random.normal(ks[3], (B, NSC), dtype=jnp.float32)
    stroke_types = jax.random.normal(ks[4], (B, NST), dtype=jnp.float32)
    radical_mask = jax.random.randint(ks[5], (C, R), 0, 2).astype(jnp.uint8)
    structure_label = jax.random.randint(ks[6], (C,), 0, NS)
    stroke_count_label = jax.random.randint(ks[7], (C,), 0, NSC)
    stroke_type_sig = jax.random.uniform(ks[8], (C, NST), dtype=jnp.float32)
    W1 = jax.random.normal(ks[9], (5, H), dtype=jnp.float32) * 0.1
    b1 = jnp.zeros((H,), dtype=jnp.float32)
    W2 = jax.random.normal(ks[10], (H, 1), dtype=jnp.float32) * 0.1
    b2 = jnp.zeros((1,), dtype=jnp.float32)
    reranker_weight = jnp.float32(0.01)
    return {
        'char_logits': char_logits,
        'radical_logits': radical_logits,
        'structure': structure,
        'stroke_count': stroke_count,
        'stroke_types': stroke_types,
        'stroke_type_sig': stroke_type_sig,
        'W1': W1, 'b1': b1, 'W2': W2, 'b2': b2,
        'reranker_weight': reranker_weight,
        'radical_mask': radical_mask,
        'structure_label': structure_label,
        'stroke_count_label': stroke_count_label,
    }


def _compute_features(radical_logits, structure, stroke_count, stroke_types,
                      top_indices, radical_mask, structure_label,
                      stroke_count_label, stroke_type_sig):
    radical_preds = (jax.nn.sigmoid(radical_logits) > 0.5).astype(jnp.float32)  # (B, R)
    cand_radical_mask_f = jnp.take(radical_mask, top_indices, axis=0).astype(jnp.float32)  # (B, K, R)
    rp = radical_preds[:, None, :]  # (B, 1, R)
    detected_and_expected = (rp * cand_radical_mask_f).sum(-1)
    cand_radical_counts = jnp.clip(cand_radical_mask_f.sum(-1), 1.0)
    radical_match_ratio = detected_and_expected / cand_radical_counts
    num_detected = radical_preds.sum(-1, keepdims=True)
    false_alarms = (rp * (1.0 - cand_radical_mask_f)).sum(-1)
    radical_false_ratio = false_alarms / jnp.clip(num_detected, 1.0)
    structure_probs = jax.nn.softmax(structure, axis=-1)
    cand_structure = jnp.take(structure_label, top_indices, axis=0)  # (B, K)
    structure_match = jnp.take_along_axis(structure_probs, cand_structure, axis=1)
    stroke_pred = jnp.argmax(stroke_count, axis=-1)
    cand_stroke = jnp.take(stroke_count_label, top_indices, axis=0)
    stroke_distance = jnp.abs(stroke_pred[:, None] - cand_stroke).astype(jnp.float32) / 29.0
    pred_norm = _normalize(stroke_types)
    cand_sig = jnp.take(stroke_type_sig, top_indices, axis=0)
    cand_sig_norm = _normalize(cand_sig)
    stroke_type_cos = (pred_norm[:, None, :] * cand_sig_norm).sum(-1)
    features = jnp.stack([radical_match_ratio, radical_false_ratio,
                          structure_match, stroke_distance, stroke_type_cos], axis=-1)
    return features


def reference(char_logits, radical_logits, structure, stroke_count, stroke_types,
              stroke_type_sig, W1, b1, W2, b2, reranker_weight,
              radical_mask, structure_label, stroke_count_label):
    top_logits, top_indices = jax.lax.top_k(char_logits, K)
    sg = jax.lax.stop_gradient
    features = _compute_features(sg(radical_logits), sg(structure), sg(stroke_count),
                                 sg(stroke_types), top_indices, radical_mask,
                                 structure_label, stroke_count_label, sg(stroke_type_sig))
    h = jax.nn.relu(features @ W1 + b1)
    rerank_scores = (h @ W2 + b2)[..., 0]  # (B, K)
    combined_top = top_logits + reranker_weight * rerank_scores
    combined_logits = char_logits.at[jnp.arange(B)[:, None], top_indices].set(combined_top)
    return combined_logits

if __name__ == "__main__":
    import jax
    _d = setup_inputs()
    print(jax.jit(kernel)(*tuple(_d.values())))

</pallas_src>

<mosaic_0001>
module attributes {stable_mosaic.version = 14 : i64} {
  func.func @_rerank_block(%arg0: i32, %arg1: memref<8x256xf32, #tpu.memory_space<vmem>>, %arg2: memref<8x214xf32, #tpu.memory_space<vmem>>, %arg3: memref<8x13xf32, #tpu.memory_space<vmem>>, %arg4: memref<8x30xf32, #tpu.memory_space<vmem>>, %arg5: memref<8x6xf32, #tpu.memory_space<vmem>>, %arg6: memref<8x256x214xi8, #tpu.memory_space<vmem>>, %arg7: memref<8x256x6xf32, #tpu.memory_space<vmem>>, %arg8: memref<8x256xi32, #tpu.memory_space<vmem>>, %arg9: memref<8x256xi32, #tpu.memory_space<vmem>>, %arg10: memref<5x256xf32, #tpu.memory_space<vmem>>, %arg11: memref<1x256xf32, #tpu.memory_space<vmem>>, %arg12: memref<1x256xf32, #tpu.memory_space<vmem>>, %arg13: memref<1x1xf32, #tpu.memory_space<vmem>>, %arg14: memref<1x1xf32, #tpu.memory_space<vmem>>, %arg15: memref<8x256xf32, #tpu.memory_space<vmem>>) attributes {dimension_semantics = [#tpu.dimension_semantics<arbitrary>], iteration_bounds = array<i64: 128>, scalar_prefetch = 0 : i64, scratch_operands = 0 : i64, tpu.core_type = #tpu.core_type<tc>, window_params = [{transform_indices = @transform_0, window_bounds = array<i64: 8, 256>}, {transform_indices = @transform_1, window_bounds = array<i64: 8, 214>}, {transform_indices = @transform_2, window_bounds = array<i64: 8, 13>}, {transform_indices = @transform_3, window_bounds = array<i64: 8, 30>}, {transform_indices = @transform_4, window_bounds = array<i64: 8, 6>}, {transform_indices = @transform_5, window_bounds = array<i64: 8, 256, 214>}, {transform_indices = @transform_6, window_bounds = array<i64: 8, 256, 6>}, {transform_indices = @transform_7, window_bounds = array<i64: 8, 256>}, {transform_indices = @transform_8, window_bounds = array<i64: 8, 256>}, {pipeline_mode = #tpu.pipeline_mode<synchronous>, transform_indices = @transform_9, window_bounds = array<i64: 5, 256>}, {pipeline_mode = #tpu.pipeline_mode<synchronous>, transform_indices = @transform_10, window_bounds = array<i64: 1, 256>}, {pipeline_mode = #tpu.pipeline_mode<synchronous>, transform_indices = @transform_11, window_bounds = array<i64: 1, 256>}, {pipeline_mode = #tpu.pipeline_mode<synchronous>, transform_indices = @transform_12, window_bounds = array<i64: 1, 1>}, {pipeline_mode = #tpu.pipeline_mode<synchronous>, transform_indices = @transform_13, window_bounds = array<i64: 1, 1>}, {transform_indices = @transform_14, window_bounds = array<i64: 8, 256>}]} {
    %get3A = arith.constant 0 : index
    %get3A_0 = arith.constant 0 : index
    %get3A_1 = vector.load %arg2[%get3A, %get3A_0] : memref<8x214xf32, #tpu.memory_space<vmem>>, vector<8x214xf32>
    %gt3A = arith.constant 0.000000e+00 : f32
    %gt3A_2 = vector.broadcast %gt3A : f32 to vector<8x214xf32>
    %gt3A_3 = arith.cmpf ogt, %get3A_1, %gt3A_2 : vector<8x214xf32>
    %convert_element_type3A = arith.extui %gt3A_3 : vector<8x214xi1> to vector<8x214xi32>
    %convert_element_type3A_4 = arith.sitofp %convert_element_type3A : vector<8x214xi32> to vector<8x214xf32>
    %get3A_5 = arith.constant 0 : index
    %get3A_6 = arith.constant 0 : index
    %get3A_7 = arith.constant 0 : index
    %get3A_8 = vector.load %arg6[%get3A_5, %get3A_6, %get3A_7] : memref<8x256x214xi8, #tpu.memory_space<vmem>>, vector<8x256x214xi8>
    %convert_element_type3A_9 = arith.uitofp %get3A_8 : vector<8x256x214xi8> to vector<8x256x214xf32>
    %broadcast_in_dim3A = vector.shape_cast %convert_element_type3A_4 : vector<8x214xf32> to vector<8x1x214xf32>
    %mul3A = vector.broadcast %broadcast_in_dim3A : vector<8x1x214xf32> to vector<8x256x214xf32>
    %mul3A_10 = arith.mulf %mul3A, %convert_element_type3A_9 : vector<8x256x214xf32>
    %reduce_sum3A = arith.constant dense<0.000000e+00> : vector<8x256xf32>
    %reduce_sum3A_11 = vector.multi_reduction <add>, %mul3A_10, %reduce_sum3A [2] : vector<8x256x214xf32> to vector<8x256xf32>
    %reduce_sum3A_12 = arith.constant dense<0.000000e+00> : vector<8x256xf32>
    %reduce_sum3A_13 = vector.multi_reduction <add>, %convert_element_type3A_9, %reduce_sum3A_12 [2] : vector<8x256x214xf32> to vector<8x256xf32>
    %max3A = arith.constant 1.000000e+00 : f32
    %max3A_14 = vector.broadcast %max3A : f32 to vector<8x256xf32>
    %max3A_15 = arith.maximumf %reduce_sum3A_13, %max3A_14 : vector<8x256xf32>
    %div3A = arith.divf %reduce_sum3A_11, %max3A_15 : vector<8x256xf32>
    %reduce_sum3A_16 = arith.constant dense<0.000000e+00> : vector<8xf32>
    %reduce_sum3A_17 = vector.multi_reduction <add>, %convert_element_type3A_4, %reduce_sum3A_16 [1] : vector<8x214xf32> to vector<8xf32>
    %broadcast_in_dim3A_18 = vector.shape_cast %reduce_sum3A_17 : vector<8xf32> to vector<8x1xf32>
    %sub3A = arith.constant 1.000000e+00 : f32
    %sub3A_19 = vector.broadcast %sub3A : f32 to vector<8x256x214xf32>
    %sub3A_20 = arith.subf %sub3A_19, %convert_element_type3A_9 : vector<8x256x214xf32>
    %mul3A_21 = vector.broadcast %broadcast_in_dim3A : vector<8x1x214xf32> to vector<8x256x214xf32>
    %mul3A_22 = arith.mulf %mul3A_21, %sub3A_20 : vector<8x256x214xf32>
    %reduce_sum3A_23 = arith.constant dense<0.000000e+00> : vector<8x256xf32>
    %reduce_sum3A_24 = vector.multi_reduction <add>, %mul3A_22, %reduce_sum3A_23 [2] : vector<8x256x214xf32> to vector<8x256xf32>
    %max3A_25 = arith.constant 1.000000e+00 : f32
    %max3A_26 = vector.broadcast %max3A_25 : f32 to vector<8x1xf32>
    %max3A_27 = arith.maximumf %broadcast_in_dim3A_18, %max3A_26 : vector<8x1xf32>
    %div3A_28 = vector.broadcast %max3A_27 : vector<8x1xf32> to vector<8x256xf32>
    %div3A_29 = arith.divf %reduce_sum3A_24, %div3A_28 : vector<8x256xf32>
    %get3A_30 = arith.constant 0 : index
    %get3A_31 = arith.constant 0 : index
    %get3A_32 = vector.load %arg3[%get3A_30, %get3A_31] : memref<8x13xf32, #tpu.memory_space<vmem>>, vector<8x13xf32>
    %reduce_max3A = arith.constant dense<0xFF800000> : vector<8xf32>
    %reduce_max3A_33 = vector.multi_reduction <maximumf>, %get3A_32, %reduce_max3A [1] : vector<8x13xf32> to vector<8xf32>
    %max3A_34 = arith.constant 0xFF800000 : f32
    %max3A_35 = vector.broadcast %max3A_34 : f32 to vector<8xf32>
    %max3A_36 = arith.maximumf %max3A_35, %reduce_max3A_33 : vector<8xf32>
    %broadcast_in_dim3A_37 = vector.shape_cast %max3A_36 : vector<8xf32> to vector<8x1xf32>
    %sub3A_38 = vector.broadcast %broadcast_in_dim3A_37 : vector<8x1xf32> to vector<8x13xf32>
    %sub3A_39 = arith.subf %get3A_32, %sub3A_38 : vector<8x13xf32>
    %exp3A = math.exp %sub3A_39 : vector<8x13xf32>
    %reduce_sum3A_40 = arith.constant dense<0.000000e+00> : vector<8xf32>
    %reduce_sum3A_41 = vector.multi_reduction <add>, %exp3A, %reduce_sum3A_40 [1] : vector<8x13xf32> to vector<8xf32>
    %broadcast_in_dim3A_42 = vector.shape_cast %reduce_sum3A_41 : vector<8xf32> to vector<8x1xf32>
    %div3A_43 = vector.broadcast %broadcast_in_dim3A_42 : vector<8x1xf32> to vector<8x13xf32>
    %div3A_44 = arith.divf %exp3A, %div3A_43 : vector<8x13xf32>
    %get3A_45 = arith.constant 0 : index
    %get3A_46 = arith.constant 0 : index
    %get3A_47 = vector.load %arg8[%get3A_45, %get3A_46] : memref<8x256xi32, #tpu.memory_space<vmem>>, vector<8x256xi32>
    %iota3A = tpu.iota {dimensions = array<i32: 2>} : vector<1x1x13xi32>
    %broadcast_in_dim3A_48 = vector.shape_cast %get3A_47 : vector<8x256xi32> to vector<8x256x1xi32>
    %eq3A = vector.broadcast %broadcast_in_dim3A_48 : vector<8x256x1xi32> to vector<8x256x13xi32>
    %eq3A_49 = vector.broadcast %iota3A : vector<1x1x13xi32> to vector<8x256x13xi32>
    %eq3A_50 = arith.cmpi eq, %eq3A, %eq3A_49 : vector<8x256x13xi32>
    %convert_element_type3A_51 = arith.extui %eq3A_50 : vector<8x256x13xi1> to vector<8x256x13xi32>
    %convert_element_type3A_52 = arith.sitofp %convert_element_type3A_51 : vector<8x256x13xi32> to vector<8x256x13xf32>
    %broadcast_in_dim3A_53 = vector.shape_cast %div3A_44 : vector<8x13xf32> to vector<8x1x13xf32>
    %mul3A_54 = vector.broadcast %broadcast_in_dim3A_53 : vector<8x1x13xf32> to vector<8x256x13xf32>
    %mul3A_55 = arith.mulf %convert_element_type3A_52, %mul3A_54 : vector<8x256x13xf32>
    %reduce_sum3A_56 = arith.constant dense<0.000000e+00> : vector<8x256xf32>
    %reduce_sum3A_57 = vector.multi_reduction <add>, %mul3A_55, %reduce_sum3A_56 [2] : vector<8x256x13xf32> to vector<8x256xf32>
    %get3A_58 = arith.constant 0 : index
    %get3A_59 = arith.constant 0 : index
    %get3A_60 = vector.load %arg4[%get3A_58, %get3A_59] : memref<8x30xf32, #tpu.memory_space<vmem>>, vector<8x30xf32>
    %reduce_max3A_61 = arith.constant dense<0xFF800000> : vector<8xf32>
    %reduce_max3A_62 = vector.multi_reduction <maximumf>, %get3A_60, %reduce_max3A_61 [1] : vector<8x30xf32> to vector<8xf32>
    %broadcast_in_dim3A_63 = vector.shape_cast %reduce_max3A_62 : vector<8xf32> to vector<8x1xf32>
    %iota3A_64 = tpu.iota {dimensions = array<i32: 1>} : vector<8x30xi32>
    %eq3A_65 = vector.broadcast %broadcast_in_dim3A_63 : vector<8x1xf32> to vector<8x30xf32>
    %eq3A_66 = arith.cmpf oeq, %get3A_60, %eq3A_65 : vector<8x30xf32>
    %jit3A = arith.constant 30 : i32
    %broadcast_in_dim3A_67 = vector.broadcast %jit3A : i32 to vector<8x30xi32>
    %select_n3A = arith.select %eq3A_66, %iota3A_64, %broadcast_in_dim3A_67 : vector<8x30xi1>, vector<8x30xi32>
    %reduce_min3A = arith.constant dense<2147483647> : vector<8xi32>
    %reduce_min3A_68 = vector.multi_reduction <minsi>, %select_n3A, %reduce_min3A [1] : vector<8x30xi32> to vector<8xi32>
    %get3A_69 = arith.constant 0 : index
    %get3A_70 = arith.constant 0 : index
    %get3A_71 = vector.load %arg9[%get3A_69, %get3A_70] : memref<8x256xi32, #tpu.memory_space<vmem>>, vector<8x256xi32>
    %broadcast_in_dim3A_72 = vector.shape_cast %reduce_min3A_68 : vector<8xi32> to vector<8x1xi32>
    %sub3A_73 = vector.broadcast %broadcast_in_dim3A_72 : vector<8x1xi32> to vector<8x256xi32>
    %sub3A_74 = arith.subi %sub3A_73, %get3A_71 : vector<8x256xi32>
    %abs3A = math.absi %sub3A_74 : vector<8x256xi32>
    %convert_element_type3A_75 = arith.sitofp %abs3A : vector<8x256xi32> to vector<8x256xf32>
    %div3A_76 = arith.constant 2.900000e+01 : f32
    %div3A_77 = vector.broadcast %div3A_76 : f32 to vector<8x256xf32>
    %div3A_78 = arith.divf %convert_element_type3A_75, %div3A_77 : vector<8x256xf32>
    %get3A_79 = arith.constant 0 : index
    %get3A_80 = arith.constant 0 : index
    %get3A_81 = vector.load %arg5[%get3A_79, %get3A_80] : memref<8x6xf32, #tpu.memory_space<vmem>>, vector<8x6xf32>
    %mul3A_82 = arith.mulf %get3A_81, %get3A_81 : vector<8x6xf32>
    %reduce_sum3A_83 = arith.constant dense<0.000000e+00> : vector<8xf32>
    %reduce_sum3A_84 = vector.multi_reduction <add>, %mul3A_82, %reduce_sum3A_83 [1] : vector<8x6xf32> to vector<8xf32>
    %broadcast_in_dim3A_85 = vector.shape_cast %reduce_sum3A_84 : vector<8xf32> to vector<8x1xf32>
    %sqrt3A = math.sqrt %broadcast_in_dim3A_85 : vector<8x1xf32>
    %max3A_86 = arith.constant 9.99999996E-13 : f32
    %max3A_87 = vector.broadcast %max3A_86 : f32 to vector<8x1xf32>
    %max3A_88 = arith.maximumf %sqrt3A, %max3A_87 : vector<8x1xf32>
    %div3A_89 = vector.broadcast %max3A_88 : vector<8x1xf32> to vector<8x6xf32>
    %div3A_90 = arith.divf %get3A_81, %div3A_89 : vector<8x6xf32>
    %get3A_91 = arith.constant 0 : index
    %get3A_92 = arith.constant 0 : index
    %get3A_93 = arith.constant 0 : index
    %get3A_94 = vector.load %arg7[%get3A_91, %get3A_92, %get3A_93] : memref<8x256x6xf32, #tpu.memory_space<vmem>>, vector<8x256x6xf32>
    %mul3A_95 = arith.mulf %get3A_94, %get3A_94 : vector<8x256x6xf32>
    %reduce_sum3A_96 = arith.constant dense<0.000000e+00> : vector<8x256xf32>
    %reduce_sum3A_97 = vector.multi_reduction <add>, %mul3A_95, %reduce_sum3A_96 [2] : vector<8x256x6xf32> to vector<8x256xf32>
    %broadcast_in_dim3A_98 = vector.shape_cast %reduce_sum3A_97 : vector<8x256xf32> to vector<8x256x1xf32>
    %sqrt3A_99 = math.sqrt %broadcast_in_dim3A_98 : vector<8x256x1xf32>
    %max3A_100 = arith.constant 9.99999996E-13 : f32
    %max3A_101 = vector.broadcast %max3A_100 : f32 to vector<8x256x1xf32>
    %max3A_102 = arith.maximumf %sqrt3A_99, %max3A_101 : vector<8x256x1xf32>
    %div3A_103 = vector.broadcast %max3A_102 : vector<8x256x1xf32> to vector<8x256x6xf32>
    %div3A_104 = arith.divf %get3A_94, %div3A_103 : vector<8x256x6xf32>
    %broadcast_in_dim3A_105 = vector.shape_cast %div3A_90 : vector<8x6xf32> to vector<8x1x6xf32>
    %mul3A_106 = vector.broadcast %broadcast_in_dim3A_105 : vector<8x1x6xf32> to vector<8x256x6xf32>
    %mul3A_107 = arith.mulf %mul3A_106, %div3A_104 : vector<8x256x6xf32>
    %reduce_sum3A_108 = arith.constant dense<0.000000e+00> : vector<8x256xf32>
    %reduce_sum3A_109 = vector.multi_reduction <add>, %mul3A_107, %reduce_sum3A_108 [2] : vector<8x256x6xf32> to vector<8x256xf32>
    %get3A_110 = arith.constant 0 : index
    %get3A_111 = arith.constant 0 : index
    %get3A_112 = vector.load %arg11[%get3A_110, %get3A_111] : memref<1x256xf32, #tpu.memory_space<vmem>>, vector<1x256xf32>
    %reshape3A = vector.shape_cast %get3A_112 : vector<1x256xf32> to vector<1x1x256xf32>
    %broadcast_in_dim3A_113 = vector.shape_cast %reshape3A : vector<1x1x256xf32> to vector<1x1x256xf32>
    %broadcast_in_dim3A_114 = vector.broadcast %broadcast_in_dim3A_113 : vector<1x1x256xf32> to vector<8x256x256xf32>
    %get3A_115 = arith.constant 0 : index
    %get3A_116 = arith.constant 0 : index
    %get3A_117 = vector.load %arg10[%get3A_115, %get3A_116] : memref<5x256xf32, #tpu.memory_space<vmem>>, vector<1x256xf32>
    %reshape3A_118 = vector.shape_cast %get3A_117 : vector<1x256xf32> to vector<1x1x256xf32>
    %broadcast_in_dim3A_119 = vector.shape_cast %div3A : vector<8x256xf32> to vector<8x256x1xf32>
    %mul3A_120 = vector.broadcast %broadcast_in_dim3A_119 : vector<8x256x1xf32> to vector<8x256x256xf32>
    %mul3A_121 = vector.broadcast %reshape3A_118 : vector<1x1x256xf32> to vector<8x256x256xf32>
    %mul3A_122 = arith.mulf %mul3A_120, %mul3A_121 : vector<8x256x256xf32>
    %add3A = arith.addf %broadcast_in_dim3A_114, %mul3A_122 : vector<8x256x256xf32>
    %get3A_123 = arith.constant 1 : index
    %get3A_124 = arith.constant 0 : index
    %get3A_125 = vector.load %arg10[%get3A_123, %get3A_124] : memref<5x256xf32, #tpu.memory_space<vmem>>, vector<1x256xf32>
    %reshape3A_126 = vector.shape_cast %get3A_125 : vector<1x256xf32> to vector<1x1x256xf32>
    %broadcast_in_dim3A_127 = vector.shape_cast %div3A_29 : vector<8x256xf32> to vector<8x256x1xf32>
    %mul3A_128 = vector.broadcast %broadcast_in_dim3A_127 : vector<8x256x1xf32> to vector<8x256x256xf32>
    %mul3A_129 = vector.broadcast %reshape3A_126 : vector<1x1x256xf32> to vector<8x256x256xf32>
    %mul3A_130 = arith.mulf %mul3A_128, %mul3A_129 : vector<8x256x256xf32>
    %add3A_131 = arith.addf %add3A, %mul3A_130 : vector<8x256x256xf32>
    %get3A_132 = arith.constant 2 : index
    %get3A_133 = arith.constant 0 : index
    %get3A_134 = vector.load %arg10[%get3A_132, %get3A_133] : memref<5x256xf32, #tpu.memory_space<vmem>>, vector<1x256xf32>
    %reshape3A_135 = vector.shape_cast %get3A_134 : vector<1x256xf32> to vector<1x1x256xf32>
    %broadcast_in_dim3A_136 = vector.shape_cast %reduce_sum3A_57 : vector<8x256xf32> to vector<8x256x1xf32>
    %mul3A_137 = vector.broadcast %broadcast_in_dim3A_136 : vector<8x256x1xf32> to vector<8x256x256xf32>
    %mul3A_138 = vector.broadcast %reshape3A_135 : vector<1x1x256xf32> to vector<8x256x256xf32>
    %mul3A_139 = arith.mulf %mul3A_137, %mul3A_138 : vector<8x256x256xf32>
    %add3A_140 = arith.addf %add3A_131, %mul3A_139 : vector<8x256x256xf32>
    %get3A_141 = arith.constant 3 : index
    %get3A_142 = arith.constant 0 : index
    %get3A_143 = vector.load %arg10[%get3A_141, %get3A_142] : memref<5x256xf32, #tpu.memory_space<vmem>>, vector<1x256xf32>
    %reshape3A_144 = vector.shape_cast %get3A_143 : vector<1x256xf32> to vector<1x1x256xf32>
    %broadcast_in_dim3A_145 = vector.shape_cast %div3A_78 : vector<8x256xf32> to vector<8x256x1xf32>
    %mul3A_146 = vector.broadcast %broadcast_in_dim3A_145 : vector<8x256x1xf32> to vector<8x256x256xf32>
    %mul3A_147 = vector.broadcast %reshape3A_144 : vector<1x1x256xf32> to vector<8x256x256xf32>
    %mul3A_148 = arith.mulf %mul3A_146, %mul3A_147 : vector<8x256x256xf32>
    %add3A_149 = arith.addf %add3A_140, %mul3A_148 : vector<8x256x256xf32>
    %get3A_150 = arith.constant 4 : index
    %get3A_151 = arith.constant 0 : index
    %get3A_152 = vector.load %arg10[%get3A_150, %get3A_151] : memref<5x256xf32, #tpu.memory_space<vmem>>, vector<1x256xf32>
    %reshape3A_153 = vector.shape_cast %get3A_152 : vector<1x256xf32> to vector<1x1x256xf32>
    %broadcast_in_dim3A_154 = vector.shape_cast %reduce_sum3A_109 : vector<8x256xf32> to vector<8x256x1xf32>
    %mul3A_155 = vector.broadcast %broadcast_in_dim3A_154 : vector<8x256x1xf32> to vector<8x256x256xf32>
    %mul3A_156 = vector.broadcast %reshape3A_153 : vector<1x1x256xf32> to vector<8x256x256xf32>
    %mul3A_157 = arith.mulf %mul3A_155, %mul3A_156 : vector<8x256x256xf32>
    %add3A_158 = arith.addf %add3A_149, %mul3A_157 : vector<8x256x256xf32>
    %max3A_159 = arith.constant 0.000000e+00 : f32
    %max3A_160 = vector.broadcast %max3A_159 : f32 to vector<8x256x256xf32>
    %max3A_161 = arith.maximumf %add3A_158, %max3A_160 : vector<8x256x256xf32>
    %get3A_162 = arith.constant 0 : index
    %get3A_163 = arith.constant 0 : index
    %get3A_164 = vector.load %arg12[%get3A_162, %get3A_163] : memref<1x256xf32, #tpu.memory_space<vmem>>, vector<1x256xf32>
    %reshape3A_165 = vector.shape_cast %get3A_164 : vector<1x256xf32> to vector<1x1x256xf32>
    %mul3A_166 = vector.broadcast %reshape3A_165 : vector<1x1x256xf32> to vector<8x256x256xf32>
    %mul3A_167 = arith.mulf %max3A_161, %mul3A_166 : vector<8x256x256xf32>
    %reduce_sum3A_168 = arith.constant dense<0.000000e+00> : vector<8x256xf32>
    %reduce_sum3A_169 = vector.multi_reduction <add>, %mul3A_167, %reduce_sum3A_168 [2] : vector<8x256x256xf32> to vector<8x256xf32>
    %get3A_170 = arith.constant 0 : index
    %get3A_171 = arith.constant 0 : index
    %get3A_172 = vector.load %arg13[%get3A_170, %get3A_171] : memref<1x1xf32, #tpu.memory_space<vmem>>, vector<1x1xf32>
    %get3A_173 = vector.extract %get3A_172[0, 0] : f32 from vector<1x1xf32>
    %add3A_174 = vector.broadcast %get3A_173 : f32 to vector<8x256xf32>
    %add3A_175 = arith.addf %reduce_sum3A_169, %add3A_174 : vector<8x256xf32>
    %get3A_176 = arith.constant 0 : index
    %get3A_177 = arith.constant 0 : index
    %get3A_178 = vector.load %arg1[%get3A_176, %get3A_177] : memref<8x256xf32, #tpu.memory_space<vmem>>, vector<8x256xf32>
    %get3A_179 = arith.constant 0 : index
    %get3A_180 = arith.constant 0 : index
    %get3A_181 = vector.load %arg14[%get3A_179, %get3A_180] : memref<1x1xf32, #tpu.memory_space<vmem>>, vector<1x1xf32>
    %get3A_182 = vector.extract %get3A_181[0, 0] : f32 from vector<1x1xf32>
    %mul3A_183 = vector.broadcast %get3A_182 : f32 to vector<8x256xf32>
    %mul3A_184 = arith.mulf %mul3A_183, %add3A_175 : vector<8x256xf32>
    %add3A_185 = arith.addf %get3A_178, %mul3A_184 : vector<8x256xf32>
    %swap3A = arith.constant 0 : index
    %swap3A_186 = arith.constant 0 : index
    %swap3A_187 = vector.load %arg15[%swap3A, %swap3A_186] : memref<8x256xf32, #tpu.memory_space<vmem>>, vector<8x256xf32>
    tpu.vector_store %arg15[%swap3A, %swap3A_186], %add3A_185 {strides = array<i32>} : memref<8x256xf32, #tpu.memory_space<vmem>>, vector<8x256xf32>,
    return
  }
  func.func @transform_0(%arg0: i32) -> (i32, i32) {
    %c0_i32 = arith.constant 0 : i32
    %c0_i32_0 = arith.constant 0 : i32
    return %arg0, %c0_i32 : i32, i32
  }
  func.func @transform_1(%arg0: i32) -> (i32, i32) {
    %c0_i32 = arith.constant 0 : i32
    %c0_i32_0 = arith.constant 0 : i32
    return %arg0, %c0_i32 : i32, i32
  }
  func.func @transform_2(%arg0: i32) -> (i32, i32) {
    %c0_i32 = arith.constant 0 : i32
    %c0_i32_0 = arith.constant 0 : i32
    return %arg0, %c0_i32 : i32, i32
  }
  func.func @transform_3(%arg0: i32) -> (i32, i32) {
    %c0_i32 = arith.constant 0 : i32
    %c0_i32_0 = arith.constant 0 : i32
    return %arg0, %c0_i32 : i32, i32
  }
  func.func @transform_4(%arg0: i32) -> (i32, i32) {
    %c0_i32 = arith.constant 0 : i32
    %c0_i32_0 = arith.constant 0 : i32
    return %arg0, %c0_i32 : i32, i32
  }
  func.func @transform_5(%arg0: i32) -> (i32, i32, i32) {
    %c0_i32 = arith.constant 0 : i32
    %c0_i32_0 = arith.constant 0 : i32
    %c0_i32_1 = arith.constant 0 : i32
    return %arg0, %c0_i32, %c0_i32_0 : i32, i32, i32
  }
  func.func @transform_6(%arg0: i32) -> (i32, i32, i32) {
    %c0_i32 = arith.constant 0 : i32
    %c0_i32_0 = arith.constant 0 : i32
    %c0_i32_1 = arith.constant 0 : i32
    return %arg0, %c0_i32, %c0_i32_0 : i32, i32, i32
  }
  func.func @transform_7(%arg0: i32) -> (i32, i32) {
    %c0_i32 = arith.constant 0 : i32
    %c0_i32_0 = arith.constant 0 : i32
    return %arg0, %c0_i32 : i32, i32
  }
  func.func @transform_8(%arg0: i32) -> (i32, i32) {
    %c0_i32 = arith.constant 0 : i32
    %c0_i32_0 = arith.constant 0 : i32
    return %arg0, %c0_i32 : i32, i32
  }
  func.func @transform_9(%arg0: i32) -> (i32, i32) {
    %c0_i32 = arith.constant 0 : i32
    %c0_i32_0 = arith.constant 0 : i32
    %c0_i32_1 = arith.constant 0 : i32
    return %c0_i32, %c0_i32_0 : i32, i32
  }
  func.func @transform_10(%arg0: i32) -> (i32, i32) {
    %c0_i32 = arith.constant 0 : i32
    %c0_i32_0 = arith.constant 0 : i32
    %c0_i32_1 = arith.constant 0 : i32
    return %c0_i32, %c0_i32_0 : i32, i32
  }
  func.func @transform_11(%arg0: i32) -> (i32, i32) {
    %c0_i32 = arith.constant 0 : i32
    %c0_i32_0 = arith.constant 0 : i32
    %c0_i32_1 = arith.constant 0 : i32
    return %c0_i32, %c0_i32_0 : i32, i32
  }
  func.func @transform_12(%arg0: i32) -> (i32, i32) {
    %c0_i32 = arith.constant 0 : i32
    %c0_i32_0 = arith.constant 0 : i32
    %c0_i32_1 = arith.constant 0 : i32
    return %c0_i32, %c0_i32_0 : i32, i32
  }
  func.func @transform_13(%arg0: i32) -> (i32, i32) {
    %c0_i32 = arith.constant 0 : i32
    %c0_i32_0 = arith.constant 0 : i32
    %c0_i32_1 = arith.constant 0 : i32
    return %c0_i32, %c0_i32_0 : i32, i32
  }
  func.func @transform_14(%arg0: i32) -> (i32, i32) {
    %c0_i32 = arith.constant 0 : i32
    %c0_i32_0 = arith.constant 0 : i32
    return %arg0, %c0_i32 : i32, i32
  }
}

</mosaic_0001>

<sc_bundles>
// kernel: sparse-core-data-format-call.cloned.1.call-start
scs
called_computation_lowered:
.L_overlay_start_0:
0x0: {  	s2 =	sld [smem:$0x3FD9]  }
0x1: {  	s3 =	sld [smem:$0x3FFE];
	_ =	sdelay $0x1  }
0x2: {  	s1 =	srdreg.scid  }
0x3: {  	s0 =	sand.u32 $0x1, s1  }
0x4: {  	s18 =	sshll.u32 s0, $0xA;
	s2 =	sadd.s32 s3, s2  }
0x5: {  	s2 =	sadd.s32 s2, s18  }
0x6: {  	[smem:$0x3FBA] =	sst s2  }
0x7: {  	_ = 	snop  }
0x8: {  	s2 =	sld [smem:$0x3FC9];
	(tm) =	ssettm $0x1  }
0x9: {  	s19 =	sld [smem:$0x3FFB];
	_ =	sdelay $0x3  }
0xa: {  	_ =	strace s19  }
0xb: {  	s3 =	sld [smem:$0x3FFC];
	_ =	sdelay $0x3  }
0xc: {  	_ =	strace s3  }
0xd: {  	s3 =	sld [smem:$0x3FFD];
	_ =	sdelay $0x3  }
0xe: {  	_ =	strace s3  }
0xf: {  	_ =	strace $0x8FFFFFFF  }
0x10: {  	s20 =	sld [smem:$0x3FDB];
	_ =	sdelay $0x1  }
0x11: {  	s4 =	simm.s32 $_scs_section_size  }
0x12: {  	s5 =	simm.s32 $_size__tile_overlayer_lowered;
	s6 =	simm.s32 $_tile_overlayer_lowered  }
0x13: {  	s23 =	simm.s32 $0x1BFF;
	s22 =	sshll.u32 s6, $0x1;
	s3 =	sadd.s32 s4, s20  }
0x14: {  	s7 =	simm.s32 $0x0;
	s21 =	sshll.u32 s5, $0x1;
	s5 =	sadd.s32 s22, s3  }
0x15: {  	[timem:s7], [sflag:s23] =	dma.local [hbm:s5], s21  }
0x16: {  	_ =	swait.ge [sflag:s23], s21  }
0x17: {  	s4 =	ssub.s32 $0x0, s21;
	[sflag:s23] =	ssyncset.done $0x0  }
0x18: {  	[sflag:s23] =	ssyncadd.s32 s4;
	_ =	sdelay $0x1  }
0x19: {  	s24 =	simm.s32 $0x1B8B  }
0x1a: {  	_ =	swait.ge [sflag:s24], $0x1  }
0x1b: {  	[sflag:s24] =	ssyncset.done $0x0  }
0x1c: {  	s26 =	simm.s32 $0x1B8E;
	s25 =	sld [smem:$0x3FFE];
	[sflag:s24] =	ssyncadd.s32 $0xFFFFFFFF  }
0x1d: {  	s27 =	simm.s32 $execute0_lowered;
	[smem:$0x3FD2] =	sst s26  }
0x1e: {  	s5 =	sshll.u32 s27, $0x1;
	_ =	strace $0x80000046;
	[dreg:$0x1] =	wrdreg $0xFFFFFFFF  }
0x1f: {  	s28 =	simm.s32 $_size_execute0_lowered;
	s3 =	sadd.s32 s3, s5;
	[dreg:$0x0] =	wrdreg $0x0  }
0x20: {  	s5 =	sshll.u32 s28, $0x1;
	[dreg:$0x2] =	wrdreg s3  }
0x21: {  	[dreg:$0x3] =	wrdreg s5  }
0x22: {  	[dreg:$0x4] =	wrdreg $0xC0  }
0x23: {  	_ =	task [dreg:s7], $0x5FFFF  }
0x24: {  	[dreg:$0x1] =	wrdreg $0xFFFFFFFF  }
0x25: {  	[dreg:$0x0] =	wrdreg $0x60  }
0x26: {  	[dreg:$0x2] =	wrdreg s2  }
0x27: {  	[dreg:$0x3] =	wrdreg s25  }
0x28: {  	[dreg:$0x4] =	wrdreg $0x9  }
0x29: {  	_ =	task.clear_ibuf [dreg:s7], $0x5FFFF;
	_ =	strace $0x90000046  }
0x2a: {  	s29 =	simm.s32 $0x9;
	_ =	strace $0x80000048  }
0x2b: {  	_ =	swait.ge [sflag:s29], $0x1  }
0x2c: {  	[sflag:s29] =	ssyncadd.s32 $0xFFFFFFFF  }
0x2d: {  	_ =	strace $0x90000048  }
0x2e: {  	_ =	sfence  }
0x2f: {  	s30 =	sld [smem:$0x0];
	_ =	sdelay $0x2  }
0x30: {  	s31 =	sshll.u32 s1, $0xD;
	s1 =	sshrl.u32 s1, $0x2  }
0x31: {  	s3 =	sand.u32 $0x4000, s31;
	s1 =	sadd.s32 s1, s30  }
0x32: {  	s0 =	sor.u32 s3, s0;
	s1 =	sshll.u32 s1, $0x11  }
0x33: {  	s0 =	sor.u32 s1, s0  }
0x34: {  	s0 =	sadd.s32 $0x8F2B, s0  }
0x35: {  	[sflag:s0] =	ssyncadd.remote.s32 $0x1  }
0x36: {  	_ =	sfence.sel $0xFFFF  }
0x37: {  	[dreg:$0x0] =	wrdreg $0xFFFFFFFF;
	(pc) =	sbr.abs _section_cstart, $3  }
0x38: {  	[dreg:$0x1] =	wrdreg $0xFFFFFFFF  }
0x39: {  	_ =	task.clear_ibuf [dreg:s7], $0x2FFFF;
	_ =	strace $0x9FFFFFFF  }
0x3a: {  	(tm) =	ssettm $0x7FFFFFFF  }
0x3b: {  	_ =	shalt  }
tec
execute0_lowered:
.L_overlay_start_1:
0x0: {  	(tag) =	ssettag $0x1  }
0x1: {  	s0 =	srdreg.scid  }
0x2: {  	s1 =	sshll.u32 s0, $0x4  }
0x3: {  	s2 =	rddreg [dreg:$0x0];
	s0 =	stileid.u32;
	s1 =	sand.u32 $0x10, s1  }
0x4: {  	s4 =	rddreg [dreg:$0x1];
	s1 =	sor.u32 s0, s1  }
0x5: {  	s7 =	simm.s32 $0x1;
	s8 =	simm.s32 $0x2;
	s3 =	sshll.u32 s1, $0x1  }
0x6: {  	s9 =	simm.s32 $0x0;
	s12 =	simm.s32 $0x0;
	s6 =	ssub.s32 $0x30D4, s3  }
.Ltmp0:
0x7: {  	s11 =	simm.s32 $0x0;
	s5 =	sand.u32 $0x3E, s6;
	(pc) =	sbr.rel .LBB1_1-.Ltmp0, $4  }
0x8: {  	s1 =	rddreg [dreg:$0x2];
	_ =	strace $0x80000047;
	p0 =	sne.s32 s5, $0x0  }
0x9: {  	s6 =	sshrl.u32 s6, $0x6;
	s5 =	simm.s32 $0x1;
	s7 =	simm.s32 @!p0 $0x0  }
0xa: {  	s10 =	smov.u32 s3;
	[sflag:s5] =	ssyncpa.u1 $0x0;
	s6 =	sadd.s32 s7, s6  }
0xb: {  	[sflag:s8] =	ssyncpa.u1 $0x0;
	s8 =	simm.s32 $0x0;
	s7 =	sadd.s32 $0x1, s6  }
.LBB1_9:
0xc: {  	s14 =	sadd.s32 $0x40, s10  }
0xd: {  	p1 =	sgt.s32 s14, $0x30D3  }
0xe: {  	s14 =	smov.u32 @p1 s3;
	p1 =	sne.s32 s11, s7  }
.Ltmp1:
0xf: {  	p0 =	slt.u32 s11, $0x2;
	(pc) =	sbr.rel @!p1 .LBB1_10-.Ltmp1, $4  }
0x10: {  	s13 =	simm.s32 @!p0 $0x2  }
0x11: {  	s15 =	sadd.s32 $0x1, s11;
	_ =	swait.ge @!p0 [sflag:s13], $0x4000  }
0x12: {  	s12 =	smov.u32 s10;
	s9 =	sadd.s32 $0x4000, s9;
	[sflag:s13] =	ssyncset.done @!p0 $0x0  }
0x13: {  	s11 =	smov.u32 s15;
	s10 =	smov.u32 s14;
	[sflag:s13] =	ssyncadd.s32 @!p0 $0xFFFFC000  }
.LBB1_1:
0x14: {  	p0 =	sge.u32 s11, s6  }
0x15: {  	s13 =	sxor.u32 @!p0 $0xFFFFFFFF, s11  }
0x16: {  	s31 =	sadd.s32 $0xFFFFFFFF, s11;
	s14 =	sshll.u32 @!p0 s10, $0xA;
	s13 =	sshll.u32 @!p0 s13, $0xE  }
0x17: {  	s15 =	simm.s32 @!p0 $0x0;
	s14 =	sadd.s32 @!p0 s2, s14;
	s13 =	sand.u32 @!p0 $0x4000, s13  }
0x18: {  	[tilespmem:s13], [sflag:$0x1] =	stream.linear.gather @!p0 [hbm4b:s14+s15], $0x4000, $0x38;
	[tilespmem:$0x10000] =	vst v63  }
0x19: {  	p0 =	sge.u32 s31, s6  }
.Ltmp2:
0x1a: {  	_ = 	snop;
	(pc) =	sbr.rel @p0 .LBB1_9-.Ltmp2, $1  }
0x1b: {  	_ =	sdelay $0x3  }
0x1c: {  	s13 =	sshll.u32 s9, $0x2  }
0x1d: {  	_ =	swait.ge [sflag:s5], $0x4000;
	s14 =	sshll.u32 s11, $0xE;
	s16 =	simm.s32 $0x0  }
0x1e: {  	p1 =	por $0x1, $0x1;
	s13 =	sand.u32 $0x10000, s13;
	[sflag:s5] =	ssyncset.done $0x0  }
0x1f: {  	s14 =	sand.u32 $0x4000, s14;
	s15 =	sshrl.u32 s13, $0x2;
	[sflag:s5] =	ssyncadd.s32 $0xFFFFC000  }
0x20: {  	s13 =	sor.u32 $0x8000, s14;
	s14 =	sadd.s32 $0x8040, s15;
	s15 =	sadd.s32 $0x40, s15  }
.LBB1_3:
0x21: {  	s16 =	sshll.u32 s16, $0x2  }
0x22: {  	p0 =	por p1, p1;
	s17 =	sshra.s32 s16, $0x2  }
0x23: {  	s18 =	simm.s32 $0x0;
	s16 =	sadd.s32 s17, s14;
	s17 =	sadd.s32 s17, s15  }
.LBB1_4:
0x24: {  	v0 =	vmov s17;
	_ =	sdelay $0x3  }
0x25: {  	s20 =	simm.s32 $0x0  }
0x26: {  	v6 =	vld.idx.msk [tilespmem:v0+s20+$0x30 ss:$0x1], $0xffff  }
0x27: {  	v7 =	vld.idx.msk [tilespmem:v0+s20+$0xFFFFFFC0 ss:$0x1], $0xffff  }
0x28: {  	v5 =	vld.idx.msk [tilespmem:v0+s20+$0xFFFFFFD0 ss:$0x1], $0xffff  }
0x29: {  	v4 =	vld.idx.msk [tilespmem:v0+s20+$0xFFFFFFE0 ss:$0x1], $0xffff  }
0x2a: {  	v3 =	vld.idx.msk [tilespmem:v0+s20+$0xFFFFFFF0 ss:$0x1], $0xffff  }
0x2b: {  	v1 =	vld.idx.msk [tilespmem:v0+s20+$0x0 ss:$0x1], $0xffff  }
0x2c: {  	v2 =	vld.idx.msk [tilespmem:v0+s20+$0x10 ss:$0x1], $0xffff;
	[tilespmem:s16+$0x30] =	vst v6  }
0x2d: {  	s19 =	simm.s32 $0x80;
	s21 =	simm.s32 $0x400;
	[tilespmem:s16+$0xFFFFFFC0] =	vst v7;
	v6 =	vld.idx.msk [tilespmem:v0+s20+$0x20 ss:$0x1], $0xffff;
	s20 =	smov.u32 s16  }
.LBB1_5:
0x2e: {  	p1 =	sne.s32 s21, $0xE00;
	v7 =	vld.idx.msk [tilespmem:v0+s19+$0x30 ss:$0x1], $0xffff;
	[tilespmem:s20+$0xFFFFFFD0] =	vst v5  }
0x2f: {  	v8 =	vld.idx.msk [tilespmem:v0+s19+$0xFFFFFFC0 ss:$0x1], $0xffff;
	[tilespmem:s20+$0xFFFFFFE0] =	vst v4  }
0x30: {  	v5 =	vld.idx.msk [tilespmem:v0+s19+$0xFFFFFFD0 ss:$0x1], $0xffff;
	[tilespmem:s20+$0xFFFFFFF0] =	vst v3  }
.Ltmp3:
0x31: {  	v4 =	vld.idx.msk [tilespmem:v0+s19+$0xFFFFFFE0 ss:$0x1], $0xffff;
	[tilespmem:s20+$0x0] =	vst v1;
	(pc) =	sbr.rel @p1 .LBB1_5-.Ltmp3, $4  }
0x32: {  	v3 =	vld.idx.msk [tilespmem:v0+s19+$0xFFFFFFF0 ss:$0x1], $0xffff;
	[tilespmem:s20+$0x10] =	vst v2  }
0x33: {  	v1 =	vld.idx.msk [tilespmem:v0+s19+$0x0 ss:$0x1], $0xffff;
	[tilespmem:s20+$0x20] =	vst v6;
	s20 =	sadd.s32 $0x400, s20  }
0x34: {  	v2 =	vld.idx.msk [tilespmem:v0+s19+$0x10 ss:$0x1], $0xffff;
	[tilespmem:s20+$0x30] =	vst v7  }
0x35: {  	[tilespmem:s20+$0xFFFFFFC0] =	vst v8;
	v6 =	vld.idx.msk [tilespmem:v0+s19+$0x20 ss:$0x1], $0xffff;
	s19 =	sshra.s32 s21, $0x2;
	s21 =	sadd.s32 $0x200, s21  }
0x36: {  	_ =	sdelay $0x2  }
0x37: {  	[tilespmem:s20+$0xFFFFFFD0] =	vst v5  }
0x38: {  	v56 =	vld.idx.msk [tilespmem:v0+s19+$0x30 ss:$0x1], $0xffff;
	[tilespmem:s20+$0xFFFFFFE0] =	vst v4  }
0x39: {  	v57 =	vld.idx.msk [tilespmem:v0+s19+$0xFFFFFFC0 ss:$0x1], $0xffff;
	[tilespmem:s20+$0xFFFFFFF0] =	vst v3  }
0x3a: {  	v58 =	vld.idx.msk [tilespmem:v0+s19+$0xFFFFFFD0 ss:$0x1], $0xffff;
	[tilespmem:s20+$0x0] =	vst v1  }
0x3b: {  	v59 =	vld.idx.msk [tilespmem:v0+s19+$0xFFFFFFE0 ss:$0x1], $0xffff;
	[tilespmem:s20+$0x10] =	vst v2  }
0x3c: {  	v60 =	vld.idx.msk [tilespmem:v0+s19+$0xFFFFFFF0 ss:$0x1], $0xffff;
	s31 =	sadd.s32 $0x400, s20;
	[tilespmem:s20+$0x20] =	vst v6  }
0x3d: {  	v61 =	vld.idx.msk [tilespmem:v0+s19+$0x0 ss:$0x1], $0xffff;
	[tilespmem:s31+$0x30] =	vst v56  }
0x3e: {  	v62 =	vld.idx.msk [tilespmem:v0+s19+$0x10 ss:$0x1], $0xffff;
	s18 =	sadd.s32 $0x1, s18;
	[tilespmem:s31+$0xFFFFFFC0] =	vst v57  }
0x3f: {  	v63 =	vld.idx.msk [tilespmem:v0+s19+$0x20 ss:$0x1], $0xffff;
	p1 =	sne.s32 s18, $0x8;
	[tilespmem:s31+$0xFFFFFFD0] =	vst v58  }
.Ltmp4:
0x40: {  	[tilespmem:s31+$0xFFFFFFE0] =	vst v59;
	(pc) =	sbr.rel @p1 .LBB1_4-.Ltmp4, $4  }
0x41: {  	[tilespmem:s31+$0xFFFFFFF0] =	vst v60  }
0x42: {  	[tilespmem:s31+$0x0] =	vst v61  }
0x43: {  	[tilespmem:s31+$0x10] =	vst v62  }
0x44: {  	s16 =	sadd.s32 $0x80, s16;
	s17 =	sadd.s32 $0x400, s17;
	[tilespmem:s31+$0x20] =	vst v63  }
.Ltmp5:
0x45: {  	(pc) =	sbr.rel @p0 .LBB1_3-.Ltmp5, $2  }
0x46: {  	_ =	sdelay $0x2  }
0x47: {  	s16 =	simm.s32 $0x2000;
	p1 =	por $0x0, $0x0  }
.Ltmp6:
0x48: {  	(pc) =	sbr.rel .LBB1_9-.Ltmp6, $4  }
0x49: {  	_ = 	snop  }
0x4a: {  	s12 =	sshll.u32 s12, $0xA  }
0x4b: {  	s12 =	sadd.s32 s4, s12  }
0x4c: {  	[hbm4b:s12+s8] =	stream.linear.scatter [tilespmem:s13], [sflag:$0x2], $0x4000, $0x38;
	[tilespmem:$0x10000] =	vst v63  }
.LBB1_10:
0x4d: {  	_ =	sfence.sel $0x180000  }
0x4e: {  	s2 =	simm.s32 $0x1;
	[bflag:$0x0] =	sbarrier.arrive $0xFFFF  }
0x4f: {  	s31 =	simm.s32 $0x2;
	[sflag:s2] =	ssyncpa.u1 $0x1  }
0x50: {  	[sflag:s31] =	ssyncpa.u1 $0x1  }
0x51: {  	p0 =	sne.s32 s0, $0x0;
	_ =	strace $0x90000047  }
0x52: {  	s0 =	sadd.s32 @!p0 $0x100000, s1;
	[bflag:$0x2] =	sbarrier.arrive $0xFFFF  }
0x53: {  	[sflag:s0] =	ssyncadd.tile.s32 @!p0 $0x1;
	_ =	shalt  }
.Lfunc_end1:
_tile_overlayer_lowered:
.L_overlay_start_2:
0x54: {  	(tag) =	ssettag $0x2  }
0x55: {  	s0 =	rddreg [dreg:$0x0];
	s2 =	stileid.u32  }
0x56: {  	s1 =	rddreg [dreg:$0x1];
	p0 =	sne.s32 s2, $0x0  }
0x57: {  	s3 =	rddreg [dreg:$0x2];
	[bflag:$0x3] =	sbarrier.arrive $0xFFFF;
	s2 =	simm.s32 @!p0 $0x1C01  }
0x58: {  	[timem:s3], [sflag:s2] =	dma.local @!p0 [hbm:s0], s1  }
0x59: {  	s0 =	simm.s32 @!p0 $0x1  }
0x5a: {  	_ =	swait.ge @!p0 [sflag:s0], s1  }
0x5b: {  	s1 =	ssub.s32 @!p0 $0x0, s1;
	[sflag:s0] =	ssyncset.done @!p0 $0x0  }
0x5c: {  	[sflag:s0] =	ssyncadd.s32 @!p0 s1  }
0x5d: {  	[bflag:$0x3] =	sbarrier.arrive $0xFFFF  }
0x5e: {  	_ =	shalt  }

</sc_bundles>
